<compile_context>
chip_gen: v7x
topology: tpu7x:2x2x1
jax: 0.10.2.dev20260603
libtpu: 0.0.44.dev20260713+nightly
codegen_flags: <defaults>
</compile_context>

<pallas_src>
import functools

import jax
import jax.numpy as jnp
from jax import lax
from jax.experimental import pallas as pl
from jax.experimental.pallas import tpu as pltpu
from jax.experimental.pallas import tpu_sc as plsc

N_VARS = 26
B = 1024
VOCAB = 1000
D = 64
H = 128

def _sc_gather(tables_flat, loc_idx):
    info = plsc.get_sparse_core_info()
    nc, ns = info.num_cores, info.num_subcores
    vars_per_core = N_VARS // nc
    half_rows = vars_per_core * VOCAB

    mesh = plsc.VectorSubcoreMesh(core_axis_name="c", subcore_axis_name="s")

    @functools.partial(
        pl.kernel,
        mesh=mesh,
        out_type=jax.ShapeDtypeStruct((N_VARS // 2, B, 2 * D), jnp.float32),
        scratch_types=[
            pltpu.VMEM((1, B), jnp.int32),
            pltpu.VMEM((B, D), jnp.float32),
            pltpu.VMEM_SHARED((half_rows, D), jnp.float32),
            pltpu.SemaphoreType.DMA,
        ],
        compiler_params=pltpu.CompilerParams(use_tc_tiling_on_sc=False),
    )
    def k(tab_hbm, idx_hbm, out_hbm, idx_v, rows_v, tab_sp, sem):
        sid = lax.axis_index("s")
        cid = lax.axis_index("c")
        @pl.when(sid < vars_per_core)
        def _():
            pltpu.sync_copy(
                tab_hbm.at[pl.ds((cid * vars_per_core + sid) * VOCAB, VOCAB)],
                tab_sp.at[pl.ds(sid * VOCAB, VOCAB)])
            pltpu.sync_copy(idx_hbm.at[cid * vars_per_core + sid], idx_v)
            pltpu.async_copy(tab_sp.at[idx_v.at[0]], rows_v, sem).wait()
            v = cid * vars_per_core + sid
            pltpu.sync_copy(rows_v,
                            out_hbm.at[v // 2, :, pl.ds((v % 2) * D, D)])

    return k(tables_flat, loc_idx)


def _tc_body(emb_ref, w1_ref, b1_ref, w2_ref, b2_ref, wh_ref, bh_ref,
             oemb_ref, olog_ref):
    n = pl.program_id(0)

    @pl.when(n == 0)
    def _():
        acc = jnp.zeros((B, H), jnp.float32)
        for i in range(N_VARS // 2):
            acc = acc + jnp.dot(emb_ref[i], w1_ref[i],
                                preferred_element_type=jnp.float32)
        h = jnp.maximum(acc + b1_ref[...], 0.0)
        e = (jnp.dot(h, w2_ref[...], preferred_element_type=jnp.float32)
             + b2_ref[...])
        eye = (lax.broadcasted_iota(jnp.int32, (D, D), 0)
               == lax.broadcasted_iota(jnp.int32, (D, D), 1)
               ).astype(jnp.float32)
        oemb_ref[pl.ds(0, D), :] = lax.dot_general(
            eye, e, (((1,), (1,)), ((), ())),
            preferred_element_type=jnp.float32)
        oemb_ref[pl.ds(D, 1), :] = jnp.ones((1, B), jnp.float32)

    et_aug = oemb_ref[...]
    whb = jnp.concatenate([wh_ref[0], bh_ref[0]], axis=0)
    olog_ref[0] = lax.dot_general(whb, et_aug, (((0,), (0,)), ((), ())),
                                  preferred_element_type=jnp.float32)


def _tc_mlp_heads(emb3, w1r, b1r, w2, b2r, wh, bh3):
    return pl.pallas_call(
        _tc_body,
        grid=(N_VARS,),
        in_specs=[
            pl.BlockSpec((N_VARS // 2, B, 2 * D), lambda n: (0, 0, 0)),
            pl.BlockSpec((N_VARS // 2, 2 * D, H), lambda n: (0, 0, 0)),
            pl.BlockSpec((1, H), lambda n: (0, 0)),
            pl.BlockSpec((H, D), lambda n: (0, 0)),
            pl.BlockSpec((1, D), lambda n: (0, 0)),
            pl.BlockSpec((1, D, VOCAB), lambda n: (n, 0, 0)),
            pl.BlockSpec((1, 1, VOCAB), lambda n: (n, 0, 0)),
        ],
        out_specs=[
            pl.BlockSpec((D + 1, B), lambda n: (0, 0)),
            pl.BlockSpec((1, VOCAB, B), lambda n: (n, 0, 0)),
        ],
        out_shape=[
            jax.ShapeDtypeStruct((D + 1, B), jnp.float32),
            jax.ShapeDtypeStruct((N_VARS, VOCAB, B), jnp.float32),
        ],
    )(emb3, w1r, b1r, w2, b2r, wh, bh3)


def kernel(context_vars, tables, W1, b1, W2, b2, Wh, bh):
    tables_flat = tables.reshape(N_VARS * VOCAB, D)
    loc_idx = (context_vars.astype(jnp.int32)
               + ((jnp.arange(N_VARS, dtype=jnp.int32) % (N_VARS // 2))
                  * VOCAB)[:, None]).reshape(N_VARS, 1, B)
    emb_p = _sc_gather(tables_flat, loc_idx)
    w1r = W1.reshape(N_VARS // 2, 2 * D, H)
    emb_aug_t, logits_t = _tc_mlp_heads(
        emb_p, w1r, b1.reshape(1, H), W2, b2.reshape(1, D),
        Wh, bh.reshape(N_VARS, 1, VOCAB))
    return emb_aug_t[:D].T, jnp.transpose(logits_t, (0, 2, 1))

# --- scband reference (transcript-rebuilt; emitter-appended) ---
"""Pipeline reference for scband-context-module-7301444403386 (READ-ONLY COPY).

The authoritative reference and input builder live on the scoring server;
editing this copy changes nothing except your own understanding.
"""

import jax, jax.numpy as jnp
import numpy as np

N_VARS = 26
B = 1024
VOCAB = 1000
D = 64
H = 128

def setup_inputs(seed: int = 0):
    key = jax.random.key(seed)
    ks = jax.random.split(key, 8)
    context_vars = jax.random.randint(ks[0], (N_VARS, B), 0, VOCAB)
    tables = 0.02 * jax.random.normal(ks[1], (N_VARS, VOCAB, D), dtype=jnp.float32)
    W1 = (1.0 / np.sqrt(N_VARS * D)) * jax.random.normal(ks[2], (N_VARS * D, H), dtype=jnp.float32)
    b1 = jnp.zeros((H,), jnp.float32)
    W2 = (1.0 / np.sqrt(H)) * jax.random.normal(ks[3], (H, D), dtype=jnp.float32)
    b2 = jnp.zeros((D,), jnp.float32)
    Wh = (1.0 / np.sqrt(D)) * jax.random.normal(ks[4], (N_VARS, D, VOCAB), dtype=jnp.float32)
    bh = jnp.zeros((N_VARS, VOCAB), jnp.float32)
    return {"context_vars": context_vars, "tables": tables, "W1": W1, "b1": b1, "W2": W2, "b2": b2, "Wh": Wh, "bh": bh}

def reference(context_vars, tables, W1, b1, W2, b2, Wh, bh):
    # Per-variable embedding lookup: tables[i][context_vars[i]] -> [N_VARS, B, D]
    embs = jax.vmap(lambda t, i: jnp.take(t, i, axis=0))(tables, context_vars)
    # torch.cat(embeddings, dim=1) in dict-insertion order -> [B, N_VARS*D]
    context_matrix = jnp.transpose(embs, (1, 0, 2)).reshape(B, N_VARS * D)
    h = jax.nn.relu(context_matrix @ W1 + b1)
    embedding = h @ W2 + b2
    # classification head per context var: Linear(D -> VOCAB)
    logits = jnp.einsum('bd,ndv->nbv', embedding, Wh) + bh[:, None, :]
    return embedding, logits

if __name__ == "__main__":
    import jax
    _d = setup_inputs()
    print(jax.jit(kernel)(*tuple(_d.values())))

</pallas_src>

<mosaic_0001>
#map = affine_map<(d0, d1) -> (0, 0)>
#map1 = affine_map<(d0, d1) -> (0, 0, 0)>
module attributes {stable_mosaic.version = 14 : i64} {
  func.func @k(%arg0: i32, %arg1: i32, %arg2: memref<26000x64xf32, #tpu.memory_space<hbm>>, %arg3: memref<26x1x1024xi32, #tpu.memory_space<hbm>>, %arg4: memref<13x1024x128xf32, #tpu.memory_space<hbm>>, %arg5: memref<1x1024xi32, #tpu.memory_space<vmem>>, %arg6: memref<1024x64xf32, #tpu.memory_space<vmem>>, %arg7: memref<13000x64xf32, #tpu.memory_space<vmem_shared>>, %arg8: memref<!tpu.dma_semaphore, #tpu.memory_space<semaphore_mem>>) attributes {dimension_semantics = [#tpu.dimension_semantics<core_parallel>, #tpu.dimension_semantics<subcore_parallel>], iteration_bounds = array<i64: 2, 16>, scalar_prefetch = 0 : i64, scratch_operands = 4 : i64, tpu.core_type = #tpu.core_type<sc_vector_subcore>, window_params = [{transform_indices = #map}, {transform_indices = #map1}, {transform_indices = #map1}]} {
    %lt3A = arith.constant 13 : i32
    %lt3A_0 = arith.cmpi slt, %arg1, %lt3A : i32
    %convert_element_type3A = arith.extui %lt3A_0 : i1 to i32
    %cond3A = arith.constant 0 : i32
    %cond3A_1 = arith.cmpi ne, %convert_element_type3A, %cond3A : i32
    scf.if %cond3A_1 {
      %mul3A = arith.constant 13 : i32
      %mul3A_2 = arith.muli %arg0, %mul3A : i32
      %add3A = arith.addi %mul3A_2, %arg1 : i32
      %mul3A_3 = arith.constant 1000 : i32
      %mul3A_4 = arith.muli %add3A, %mul3A_3 : i32
      %mul3A_5 = arith.constant 1000 : i32
      %mul3A_6 = arith.muli %arg1, %mul3A_5 : i32
      "tpu.region"() ({
        %run_scoped3A = tpu.sem_alloc : memref<!tpu.dma_semaphore, #tpu.memory_space<semaphore_mem>>
        %dma_start3A_58 = arith.constant 0 : i32
        %dma_start3A_59 = tpu.memref_slice %arg7[%mul3A_6, %dma_start3A_58] : memref<13000x64xf32, #tpu.memory_space<vmem_shared>> -> memref<1000x64xf32, #tpu.memory_space<vmem_shared>>
        %dma_start3A_60 = arith.constant 0 : i32
        %dma_start3A_61 = tpu.memref_slice %arg2[%mul3A_4, %dma_start3A_60] : memref<26000x64xf32, #tpu.memory_space<hbm>> -> memref<1000x64xf32, #tpu.memory_space<hbm>>
        tpu.enqueue_dma source(%dma_start3A_61 : memref<1000x64xf32, #tpu.memory_space<hbm>>) target(%dma_start3A_59 : memref<1000x64xf32, #tpu.memory_space<vmem_shared>>) target_semaphore(%run_scoped3A : memref<!tpu.dma_semaphore, #tpu.memory_space<semaphore_mem>>)
        %dma_wait3A_62 = arith.constant 0 : i32
        %dma_wait3A_63 = tpu.memref_slice %arg7[%mul3A_6, %dma_wait3A_62] : memref<13000x64xf32, #tpu.memory_space<vmem_shared>> -> memref<1000x64xf32, #tpu.memory_space<vmem_shared>>
        %dma_wait3A_64 = arith.constant 0 : i32
        %dma_wait3A_65 = tpu.memref_slice %arg2[%mul3A_4, %dma_wait3A_64] : memref<26000x64xf32, #tpu.memory_space<hbm>> -> memref<1000x64xf32, #tpu.memory_space<hbm>>
        tpu.wait_dma2 semaphore(%run_scoped3A : memref<!tpu.dma_semaphore, #tpu.memory_space<semaphore_mem>>) src(%dma_wait3A_65 : memref<1000x64xf32, #tpu.memory_space<hbm>>) dst(%dma_wait3A_63 : memref<1000x64xf32, #tpu.memory_space<vmem_shared>>)
        tpu.yield
      }) : () -> ()
      %mul3A_7 = arith.constant 13 : i32
      %mul3A_8 = arith.muli %arg0, %mul3A_7 : i32
      %add3A_9 = arith.addi %mul3A_8, %arg1 : i32
      "tpu.region"() ({
        %run_scoped3A = tpu.sem_alloc : memref<!tpu.dma_semaphore, #tpu.memory_space<semaphore_mem>>
        %dma_start3A_58 = arith.constant 0 : i32
        %dma_start3A_59 = arith.constant 0 : i32
        %dma_start3A_60 = tpu.memref_slice %arg3[%add3A_9, %dma_start3A_58, %dma_start3A_59] : memref<26x1x1024xi32, #tpu.memory_space<hbm>> -> memref<1x1x1024xi32, #tpu.memory_space<hbm>>
        %dma_start3A_61 = tpu.memref_squeeze %dma_start3A_60 : memref<1x1x1024xi32, #tpu.memory_space<hbm>> -> memref<1x1024xi32, #tpu.memory_space<hbm>>
        %dma_start3A_62 = arith.constant 0 : i32
        %dma_start3A_63 = arith.constant 0 : i32
        %dma_start3A_64 = tpu.memref_slice %arg3[%add3A_9, %dma_start3A_62, %dma_start3A_63] : memref<26x1x1024xi32, #tpu.memory_space<hbm>> -> memref<1x1x1024xi32, #tpu.memory_space<hbm>>
        %dma_start3A_65 = tpu.memref_squeeze %dma_start3A_64 : memref<1x1x1024xi32, #tpu.memory_space<hbm>> -> memref<1x1024xi32, #tpu.memory_space<hbm>>
        tpu.enqueue_dma source(%dma_start3A_65 : memref<1x1024xi32, #tpu.memory_space<hbm>>) target(%arg5 : memref<1x1024xi32, #tpu.memory_space<vmem>>) target_semaphore(%run_scoped3A : memref<!tpu.dma_semaphore, #tpu.memory_space<semaphore_mem>>)
        %dma_wait3A_66 = arith.constant 0 : i32
        %dma_wait3A_67 = arith.constant 0 : i32
        %dma_wait3A_68 = tpu.memref_slice %arg3[%add3A_9, %dma_wait3A_66, %dma_wait3A_67] : memref<26x1x1024xi32, #tpu.memory_space<hbm>> -> memref<1x1x1024xi32, #tpu.memory_space<hbm>>
        %dma_wait3A_69 = tpu.memref_squeeze %dma_wait3A_68 : memref<1x1x1024xi32, #tpu.memory_space<hbm>> -> memref<1x1024xi32, #tpu.memory_space<hbm>>
        %dma_wait3A_70 = arith.constant 0 : i32
        %dma_wait3A_71 = arith.constant 0 : i32
        %dma_wait3A_72 = tpu.memref_slice %arg3[%add3A_9, %dma_wait3A_70, %dma_wait3A_71] : memref<26x1x1024xi32, #tpu.memory_space<hbm>> -> memref<1x1x1024xi32, #tpu.memory_space<hbm>>
        %dma_wait3A_73 = tpu.memref_squeeze %dma_wait3A_72 : memref<1x1x1024xi32, #tpu.memory_space<hbm>> -> memref<1x1024xi32, #tpu.memory_space<hbm>>
        tpu.wait_dma2 semaphore(%run_scoped3A : memref<!tpu.dma_semaphore, #tpu.memory_space<semaphore_mem>>) src(%dma_wait3A_73 : memref<1x1024xi32, #tpu.memory_space<hbm>>) dst(%arg5 : memref<1x1024xi32, #tpu.memory_space<vmem>>)
        tpu.yield
      }) : () -> ()
      %dma_start3A = arith.constant 0 : i32
      %dma_start3A_10 = arith.constant 0 : i32
      %dma_start3A_11 = tpu.memref_slice %arg5[%dma_start3A, %dma_start3A_10] : memref<1x1024xi32, #tpu.memory_space<vmem>> -> memref<1x1024xi32, #tpu.memory_space<vmem>>
      %dma_start3A_12 = tpu.memref_squeeze %dma_start3A_11 : memref<1x1024xi32, #tpu.memory_space<vmem>> -> memref<1024xi32, #tpu.memory_space<vmem>>
      %dma_start3A_13 = arith.constant 0 : i32
      %dma_start3A_14 = arith.constant 0 : i32
      %dma_start3A_15 = tpu.memref_slice %arg7[%dma_start3A_13, %dma_start3A_14] : memref<13000x64xf32, #tpu.memory_space<vmem_shared>> -> memref<13000x64xf32, #tpu.memory_space<vmem_shared>>
      tpu.enqueue_indirect_dma source(%dma_start3A_15 : memref<13000x64xf32, #tpu.memory_space<vmem_shared>>) target(%arg6 : memref<1024x64xf32, #tpu.memory_space<vmem>>) offsets(%dma_start3A_12 : memref<1024xi32, #tpu.memory_space<vmem>>) semaphore(%arg8 : memref<!tpu.dma_semaphore, #tpu.memory_space<semaphore_mem>>)
      %dma_wait3A = arith.constant 0 : i32
      %dma_wait3A_16 = arith.constant 0 : i32
      %dma_wait3A_17 = tpu.memref_slice %arg5[%dma_wait3A, %dma_wait3A_16] : memref<1x1024xi32, #tpu.memory_space<vmem>> -> memref<1x1024xi32, #tpu.memory_space<vmem>>
      %dma_wait3A_18 = tpu.memref_squeeze %dma_wait3A_17 : memref<1x1024xi32, #tpu.memory_space<vmem>> -> memref<1024xi32, #tpu.memory_space<vmem>>
      %dma_wait3A_19 = arith.constant 0 : i32
      %dma_wait3A_20 = arith.constant 0 : i32
      %dma_wait3A_21 = tpu.memref_slice %arg7[%dma_wait3A_19, %dma_wait3A_20] : memref<13000x64xf32, #tpu.memory_space<vmem_shared>> -> memref<13000x64xf32, #tpu.memory_space<vmem_shared>>
      tpu.wait_indirect_dma semaphore(%arg8 : memref<!tpu.dma_semaphore, #tpu.memory_space<semaphore_mem>>) src(%dma_wait3A_21 : memref<13000x64xf32, #tpu.memory_space<vmem_shared>>) dst(%arg6 : memref<1024x64xf32, #tpu.memory_space<vmem>>)
      %mul3A_22 = arith.constant 13 : i32
      %mul3A_23 = arith.muli %arg0, %mul3A_22 : i32
      %add3A_24 = arith.addi %mul3A_23, %arg1 : i32
      %jit3A = arith.constant 2 : i32
      %div3A = arith.divsi %add3A_24, %jit3A : i32
      %sign3A = arith.constant 0 : i32
      %sign3A_25 = arith.cmpi sgt, %add3A_24, %sign3A : i32
      %sign3A_26 = arith.extui %sign3A_25 : i1 to i32
      %sign3A_27 = arith.constant 0 : i32
      %sign3A_28 = arith.cmpi slt, %add3A_24, %sign3A_27 : i32
      %sign3A_29 = arith.extui %sign3A_28 : i1 to i32
      %sign3A_30 = arith.subi %sign3A_26, %sign3A_29 : i32
      %sign3A_31 = arith.constant 0 : i32
      %sign3A_32 = arith.cmpi sgt, %jit3A, %sign3A_31 : i32
      %sign3A_33 = arith.extui %sign3A_32 : i1 to i32
      %sign3A_34 = arith.constant 0 : i32
      %sign3A_35 = arith.cmpi slt, %jit3A, %sign3A_34 : i32
      %sign3A_36 = arith.extui %sign3A_35 : i1 to i32
      %sign3A_37 = arith.subi %sign3A_33, %sign3A_36 : i32
      %ne3A = arith.cmpi ne, %sign3A_30, %sign3A_37 : i32
      %rem3A = arith.remsi %add3A_24, %jit3A : i32
      %ne3A_38 = arith.constant 0 : i32
      %ne3A_39 = arith.cmpi ne, %rem3A, %ne3A_38 : i32
      %and3A = arith.andi %ne3A, %ne3A_39 : i1
      %sub3A = arith.constant 1 : i32
      %sub3A_40 = arith.subi %div3A, %sub3A : i32
      %select_n3A = arith.select %and3A, %sub3A_40, %div3A : i32
      %jit3A_41 = arith.constant 2 : i32
      %eq3A = arith.constant 0 : i32
      %eq3A_42 = arith.cmpi eq, %jit3A_41, %eq3A : i32
      %jit3A_43 = arith.constant 1 : i32
      %select_n3A_44 = arith.select %eq3A_42, %jit3A_43, %jit3A_41 : i32
      %rem3A_45 = arith.remsi %add3A_24, %select_n3A_44 : i32
      %ne3A_46 = arith.constant 0 : i32
      %ne3A_47 = arith.cmpi ne, %rem3A_45, %ne3A_46 : i32
      %lt3A_48 = arith.constant 0 : i32
      %lt3A_49 = arith.cmpi slt, %rem3A_45, %lt3A_48 : i32
      %lt3A_50 = arith.constant 0 : i32
      %lt3A_51 = arith.cmpi slt, %select_n3A_44, %lt3A_50 : i32
      %ne3A_52 = arith.xori %lt3A_49, %lt3A_51 : i1
      %and3A_53 = arith.andi %ne3A_52, %ne3A_47 : i1
      %add3A_54 = arith.addi %rem3A_45, %select_n3A_44 : i32
      %select_n3A_55 = arith.select %and3A_53, %add3A_54, %rem3A_45 : i32
      %mul3A_56 = arith.constant 64 : i32
      %mul3A_57 = arith.muli %select_n3A_55, %mul3A_56 : i32
      "tpu.region"() ({
        %run_scoped3A = tpu.sem_alloc : memref<!tpu.dma_semaphore, #tpu.memory_space<semaphore_mem>>
        %dma_start3A_58 = arith.constant 0 : i32
        %dma_start3A_59 = tpu.memref_slice %arg4[%select_n3A, %dma_start3A_58, %mul3A_57] : memref<13x1024x128xf32, #tpu.memory_space<hbm>> -> memref<1x1024x64xf32, #tpu.memory_space<hbm>>
        %dma_start3A_60 = tpu.memref_squeeze %dma_start3A_59 : memref<1x1024x64xf32, #tpu.memory_space<hbm>> -> memref<1024x64xf32, #tpu.memory_space<hbm>>
        %dma_start3A_61 = arith.constant 0 : i32
        %dma_start3A_62 = tpu.memref_slice %arg4[%select_n3A, %dma_start3A_61, %mul3A_57] : memref<13x1024x128xf32, #tpu.memory_space<hbm>> -> memref<1x1024x64xf32, #tpu.memory_space<hbm>>
        %dma_start3A_63 = tpu.memref_squeeze %dma_start3A_62 : memref<1x1024x64xf32, #tpu.memory_space<hbm>> -> memref<1024x64xf32, #tpu.memory_space<hbm>>
        tpu.enqueue_dma source(%arg6 : memref<1024x64xf32, #tpu.memory_space<vmem>>) target(%dma_start3A_63 : memref<1024x64xf32, #tpu.memory_space<hbm>>) target_semaphore(%run_scoped3A : memref<!tpu.dma_semaphore, #tpu.memory_space<semaphore_mem>>)
        %dma_wait3A_64 = arith.constant 0 : i32
        %dma_wait3A_65 = tpu.memref_slice %arg4[%select_n3A, %dma_wait3A_64, %mul3A_57] : memref<13x1024x128xf32, #tpu.memory_space<hbm>> -> memref<1x1024x64xf32, #tpu.memory_space<hbm>>
        %dma_wait3A_66 = tpu.memref_squeeze %dma_wait3A_65 : memref<1x1024x64xf32, #tpu.memory_space<hbm>> -> memref<1024x64xf32, #tpu.memory_space<hbm>>
        %dma_wait3A_67 = arith.constant 0 : i32
        %dma_wait3A_68 = tpu.memref_slice %arg4[%select_n3A, %dma_wait3A_67, %mul3A_57] : memref<13x1024x128xf32, #tpu.memory_space<hbm>> -> memref<1x1024x64xf32, #tpu.memory_space<hbm>>
        %dma_wait3A_69 = tpu.memref_squeeze %dma_wait3A_68 : memref<1x1024x64xf32, #tpu.memory_space<hbm>> -> memref<1024x64xf32, #tpu.memory_space<hbm>>
        tpu.wait_dma2 semaphore(%run_scoped3A : memref<!tpu.dma_semaphore, #tpu.memory_space<semaphore_mem>>) src(%arg6 : memref<1024x64xf32, #tpu.memory_space<vmem>>) dst(%dma_wait3A_69 : memref<1024x64xf32, #tpu.memory_space<hbm>>)
        tpu.yield
      }) : () -> ()
    } else {
    }
    return
  }
}

module attributes {stable_mosaic.version = 14 : i64} {
  func.func @_tc_body(%arg0: i32, %arg1: memref<13x1024x128xf32, #tpu.memory_space<vmem>>, %arg2: memref<13x128x128xf32, #tpu.memory_space<vmem>>, %arg3: memref<1x128xf32, #tpu.memory_space<vmem>>, %arg4: memref<128x64xf32, #tpu.memory_space<vmem>>, %arg5: memref<1x64xf32, #tpu.memory_space<vmem>>, %arg6: memref<1x64x1000xf32, #tpu.memory_space<vmem>>, %arg7: memref<1x1x1000xf32, #tpu.memory_space<vmem>>, %arg8: memref<65x1024xf32, #tpu.memory_space<vmem>>, %arg9: memref<1x1000x1024xf32, #tpu.memory_space<vmem>>) attributes {dimension_semantics = [#tpu.dimension_semantics<arbitrary>], iteration_bounds = array<i64: 26>, scalar_prefetch = 0 : i64, scratch_operands = 0 : i64, tpu.core_type = #tpu.core_type<tc>, window_params = [{pipeline_mode = #tpu.pipeline_mode<synchronous>, transform_indices = @transform_0, window_bounds = array<i64: 13, 1024, 128>}, {pipeline_mode = #tpu.pipeline_mode<synchronous>, transform_indices = @transform_1, window_bounds = array<i64: 13, 128, 128>}, {pipeline_mode = #tpu.pipeline_mode<synchronous>, transform_indices = @transform_2, window_bounds = array<i64: 1, 128>}, {pipeline_mode = #tpu.pipeline_mode<synchronous>, transform_indices = @transform_3, window_bounds = array<i64: 128, 64>}, {pipeline_mode = #tpu.pipeline_mode<synchronous>, transform_indices = @transform_4, window_bounds = array<i64: 1, 64>}, {transform_indices = @transform_5, window_bounds = array<i64: 1, 64, 1000>}, {transform_indices = @transform_6, window_bounds = array<i64: 1, 1, 1000>}, {pipeline_mode = #tpu.pipeline_mode<synchronous>, transform_indices = @transform_7, window_bounds = array<i64: 65, 1024>}, {transform_indices = @transform_8, window_bounds = array<i64: 1, 1000, 1024>}]} {
    %eq3A = arith.constant 0 : i32
    %eq3A_0 = arith.cmpi eq, %arg0, %eq3A : i32
    %convert_element_type3A = arith.extui %eq3A_0 : i1 to i32
    %cond3A = arith.constant 0 : i32
    %cond3A_1 = arith.cmpi ne, %convert_element_type3A, %cond3A : i32
    scf.if %cond3A_1 {
      %broadcast_in_dim3A = arith.constant 0.000000e+00 : f32
      %broadcast_in_dim3A_20 = vector.broadcast %broadcast_in_dim3A : f32 to vector<1024x128xf32>
      %get3A_21 = arith.constant 0 : index
      %get3A_22 = arith.constant 0 : index
      %get3A_23 = arith.constant 0 : index
      %get3A_24 = vector.load %arg1[%get3A_21, %get3A_22, %get3A_23] : memref<13x1024x128xf32, #tpu.memory_space<vmem>>, vector<1x1024x128xf32>
      %get3A_25 = vector.shape_cast %get3A_24 : vector<1x1024x128xf32> to vector<1024x128xf32>
      %get3A_26 = arith.constant 0 : index
      %get3A_27 = arith.constant 0 : index
      %get3A_28 = arith.constant 0 : index
      %get3A_29 = vector.load %arg2[%get3A_26, %get3A_27, %get3A_28] : memref<13x128x128xf32, #tpu.memory_space<vmem>>, vector<1x128x128xf32>
      %get3A_30 = vector.shape_cast %get3A_29 : vector<1x128x128xf32> to vector<128x128xf32>
      %dot_general3A_31 = arith.constant dense<0.000000e+00> : vector<1024x128xf32>
      %dot_general3A_32 = tpu.matmul %get3A_25, %get3A_30, %dot_general3A_31 {dimension_numbers = #tpu.dot_dimension_numbers<[1], [0], [0], [1], [0, 0, 1, 1], [], []>, transpose_lhs_hint = false} : vector<1024x128xf32>, vector<128x128xf32>, vector<1024x128xf32> -> vector<1024x128xf32>
      %add3A = arith.addf %broadcast_in_dim3A_20, %dot_general3A_32 : vector<1024x128xf32>
      %get3A_33 = arith.constant 1 : index
      %get3A_34 = arith.constant 0 : index
      %get3A_35 = arith.constant 0 : index
      %get3A_36 = vector.load %arg1[%get3A_33, %get3A_34, %get3A_35] : memref<13x1024x128xf32, #tpu.memory_space<vmem>>, vector<1x1024x128xf32>
      %get3A_37 = vector.shape_cast %get3A_36 : vector<1x1024x128xf32> to vector<1024x128xf32>
      %get3A_38 = arith.constant 1 : index
      %get3A_39 = arith.constant 0 : index
      %get3A_40 = arith.constant 0 : index
      %get3A_41 = vector.load %arg2[%get3A_38, %get3A_39, %get3A_40] : memref<13x128x128xf32, #tpu.memory_space<vmem>>, vector<1x128x128xf32>
      %get3A_42 = vector.shape_cast %get3A_41 : vector<1x128x128xf32> to vector<128x128xf32>
      %dot_general3A_43 = arith.constant dense<0.000000e+00> : vector<1024x128xf32>
      %dot_general3A_44 = tpu.matmul %get3A_37, %get3A_42, %dot_general3A_43 {dimension_numbers = #tpu.dot_dimension_numbers<[1], [0], [0], [1], [0, 0, 1, 1], [], []>, transpose_lhs_hint = false} : vector<1024x128xf32>, vector<128x128xf32>, vector<1024x128xf32> -> vector<1024x128xf32>
      %add3A_45 = arith.addf %add3A, %dot_general3A_44 : vector<1024x128xf32>
      %get3A_46 = arith.constant 2 : index
      %get3A_47 = arith.constant 0 : index
      %get3A_48 = arith.constant 0 : index
      %get3A_49 = vector.load %arg1[%get3A_46, %get3A_47, %get3A_48] : memref<13x1024x128xf32, #tpu.memory_space<vmem>>, vector<1x1024x128xf32>
      %get3A_50 = vector.shape_cast %get3A_49 : vector<1x1024x128xf32> to vector<1024x128xf32>
      %get3A_51 = arith.constant 2 : index
      %get3A_52 = arith.constant 0 : index
      %get3A_53 = arith.constant 0 : index
      %get3A_54 = vector.load %arg2[%get3A_51, %get3A_52, %get3A_53] : memref<13x128x128xf32, #tpu.memory_space<vmem>>, vector<1x128x128xf32>
      %get3A_55 = vector.shape_cast %get3A_54 : vector<1x128x128xf32> to vector<128x128xf32>
      %dot_general3A_56 = arith.constant dense<0.000000e+00> : vector<1024x128xf32>
      %dot_general3A_57 = tpu.matmul %get3A_50, %get3A_55, %dot_general3A_56 {dimension_numbers = #tpu.dot_dimension_numbers<[1], [0], [0], [1], [0, 0, 1, 1], [], []>, transpose_lhs_hint = false} : vector<1024x128xf32>, vector<128x128xf32>, vector<1024x128xf32> -> vector<1024x128xf32>
      %add3A_58 = arith.addf %add3A_45, %dot_general3A_57 : vector<1024x128xf32>
      %get3A_59 = arith.constant 3 : index
      %get3A_60 = arith.constant 0 : index
      %get3A_61 = arith.constant 0 : index
      %get3A_62 = vector.load %arg1[%get3A_59, %get3A_60, %get3A_61] : memref<13x1024x128xf32, #tpu.memory_space<vmem>>, vector<1x1024x128xf32>
      %get3A_63 = vector.shape_cast %get3A_62 : vector<1x1024x128xf32> to vector<1024x128xf32>
      %get3A_64 = arith.constant 3 : index
      %get3A_65 = arith.constant 0 : index
      %get3A_66 = arith.constant 0 : index
      %get3A_67 = vector.load %arg2[%get3A_64, %get3A_65, %get3A_66] : memref<13x128x128xf32, #tpu.memory_space<vmem>>, vector<1x128x128xf32>
      %get3A_68 = vector.shape_cast %get3A_67 : vector<1x128x128xf32> to vector<128x128xf32>
      %dot_general3A_69 = arith.constant dense<0.000000e+00> : vector<1024x128xf32>
      %dot_general3A_70 = tpu.matmul %get3A_63, %get3A_68, %dot_general3A_69 {dimension_numbers = #tpu.dot_dimension_numbers<[1], [0], [0], [1], [0, 0, 1, 1], [], []>, transpose_lhs_hint = false} : vector<1024x128xf32>, vector<128x128xf32>, vector<1024x128xf32> -> vector<1024x128xf32>
      %add3A_71 = arith.addf %add3A_58, %dot_general3A_70 : vector<1024x128xf32>
      %get3A_72 = arith.constant 4 : index
      %get3A_73 = arith.constant 0 : index
      %get3A_74 = arith.constant 0 : index
      %get3A_75 = vector.load %arg1[%get3A_72, %get3A_73, %get3A_74] : memref<13x1024x128xf32, #tpu.memory_space<vmem>>, vector<1x1024x128xf32>
      %get3A_76 = vector.shape_cast %get3A_75 : vector<1x1024x128xf32> to vector<1024x128xf32>
      %get3A_77 = arith.constant 4 : index
      %get3A_78 = arith.constant 0 : index
      %get3A_79 = arith.constant 0 : index
      %get3A_80 = vector.load %arg2[%get3A_77, %get3A_78, %get3A_79] : memref<13x128x128xf32, #tpu.memory_space<vmem>>, vector<1x128x128xf32>
      %get3A_81 = vector.shape_cast %get3A_80 : vector<1x128x128xf32> to vector<128x128xf32>
      %dot_general3A_82 = arith.constant dense<0.000000e+00> : vector<1024x128xf32>
      %dot_general3A_83 = tpu.matmul %get3A_76, %get3A_81, %dot_general3A_82 {dimension_numbers = #tpu.dot_dimension_numbers<[1], [0], [0], [1], [0, 0, 1, 1], [], []>, transpose_lhs_hint = false} : vector<1024x128xf32>, vector<128x128xf32>, vector<1024x128xf32> -> vector<1024x128xf32>
      %add3A_84 = arith.addf %add3A_71, %dot_general3A_83 : vector<1024x128xf32>
      %get3A_85 = arith.constant 5 : index
      %get3A_86 = arith.constant 0 : index
      %get3A_87 = arith.constant 0 : index
      %get3A_88 = vector.load %arg1[%get3A_85, %get3A_86, %get3A_87] : memref<13x1024x128xf32, #tpu.memory_space<vmem>>, vector<1x1024x128xf32>
      %get3A_89 = vector.shape_cast %get3A_88 : vector<1x1024x128xf32> to vector<1024x128xf32>
      %get3A_90 = arith.constant 5 : index
      %get3A_91 = arith.constant 0 : index
      %get3A_92 = arith.constant 0 : index
      %get3A_93 = vector.load %arg2[%get3A_90, %get3A_91, %get3A_92] : memref<13x128x128xf32, #tpu.memory_space<vmem>>, vector<1x128x128xf32>
      %get3A_94 = vector.shape_cast %get3A_93 : vector<1x128x128xf32> to vector<128x128xf32>
      %dot_general3A_95 = arith.constant dense<0.000000e+00> : vector<1024x128xf32>
      %dot_general3A_96 = tpu.matmul %get3A_89, %get3A_94, %dot_general3A_95 {dimension_numbers = #tpu.dot_dimension_numbers<[1], [0], [0], [1], [0, 0, 1, 1], [], []>, transpose_lhs_hint = false} : vector<1024x128xf32>, vector<128x128xf32>, vector<1024x128xf32> -> vector<1024x128xf32>
      %add3A_97 = arith.addf %add3A_84, %dot_general3A_96 : vector<1024x128xf32>
      %get3A_98 = arith.constant 6 : index
      %get3A_99 = arith.constant 0 : index
      %get3A_100 = arith.constant 0 : index
      %get3A_101 = vector.load %arg1[%get3A_98, %get3A_99, %get3A_100] : memref<13x1024x128xf32, #tpu.memory_space<vmem>>, vector<1x1024x128xf32>
      %get3A_102 = vector.shape_cast %get3A_101 : vector<1x1024x128xf32> to vector<1024x128xf32>
      %get3A_103 = arith.constant 6 : index
      %get3A_104 = arith.constant 0 : index
      %get3A_105 = arith.constant 0 : index
      %get3A_106 = vector.load %arg2[%get3A_103, %get3A_104, %get3A_105] : memref<13x128x128xf32, #tpu.memory_space<vmem>>, vector<1x128x128xf32>
      %get3A_107 = vector.shape_cast %get3A_106 : vector<1x128x128xf32> to vector<128x128xf32>
      %dot_general3A_108 = arith.constant dense<0.000000e+00> : vector<1024x128xf32>
      %dot_general3A_109 = tpu.matmul %get3A_102, %get3A_107, %dot_general3A_108 {dimension_numbers = #tpu.dot_dimension_numbers<[1], [0], [0], [1], [0, 0, 1, 1], [], []>, transpose_lhs_hint = false} : vector<1024x128xf32>, vector<128x128xf32>, vector<1024x128xf32> -> vector<1024x128xf32>
      %add3A_110 = arith.addf %add3A_97, %dot_general3A_109 : vector<1024x128xf32>
      %get3A_111 = arith.constant 7 : index
      %get3A_112 = arith.constant 0 : index
      %get3A_113 = arith.constant 0 : index
      %get3A_114 = vector.load %arg1[%get3A_111, %get3A_112, %get3A_113] : memref<13x1024x128xf32, #tpu.memory_space<vmem>>, vector<1x1024x128xf32>
      %get3A_115 = vector.shape_cast %get3A_114 : vector<1x1024x128xf32> to vector<1024x128xf32>
      %get3A_116 = arith.constant 7 : index
      %get3A_117 = arith.constant 0 : index
      %get3A_118 = arith.constant 0 : index
      %get3A_119 = vector.load %arg2[%get3A_116, %get3A_117, %get3A_118] : memref<13x128x128xf32, #tpu.memory_space<vmem>>, vector<1x128x128xf32>
      %get3A_120 = vector.shape_cast %get3A_119 : vector<1x128x128xf32> to vector<128x128xf32>
      %dot_general3A_121 = arith.constant dense<0.000000e+00> : vector<1024x128xf32>
      %dot_general3A_122 = tpu.matmul %get3A_115, %get3A_120, %dot_general3A_121 {dimension_numbers = #tpu.dot_dimension_numbers<[1], [0], [0], [1], [0, 0, 1, 1], [], []>, transpose_lhs_hint = false} : vector<1024x128xf32>, vector<128x128xf32>, vector<1024x128xf32> -> vector<1024x128xf32>
      %add3A_123 = arith.addf %add3A_110, %dot_general3A_122 : vector<1024x128xf32>
      %get3A_124 = arith.constant 8 : index
      %get3A_125 = arith.constant 0 : index
      %get3A_126 = arith.constant 0 : index
      %get3A_127 = vector.load %arg1[%get3A_124, %get3A_125, %get3A_126] : memref<13x1024x128xf32, #tpu.memory_space<vmem>>, vector<1x1024x128xf32>
      %get3A_128 = vector.shape_cast %get3A_127 : vector<1x1024x128xf32> to vector<1024x128xf32>
      %get3A_129 = arith.constant 8 : index
      %get3A_130 = arith.constant 0 : index
      %get3A_131 = arith.constant 0 : index
      %get3A_132 = vector.load %arg2[%get3A_129, %get3A_130, %get3A_131] : memref<13x128x128xf32, #tpu.memory_space<vmem>>, vector<1x128x128xf32>
      %get3A_133 = vector.shape_cast %get3A_132 : vector<1x128x128xf32> to vector<128x128xf32>
      %dot_general3A_134 = arith.constant dense<0.000000e+00> : vector<1024x128xf32>
      %dot_general3A_135 = tpu.matmul %get3A_128, %get3A_133, %dot_general3A_134 {dimension_numbers = #tpu.dot_dimension_numbers<[1], [0], [0], [1], [0, 0, 1, 1], [], []>, transpose_lhs_hint = false} : vector<1024x128xf32>, vector<128x128xf32>, vector<1024x128xf32> -> vector<1024x128xf32>
      %add3A_136 = arith.addf %add3A_123, %dot_general3A_135 : vector<1024x128xf32>
      %get3A_137 = arith.constant 9 : index
      %get3A_138 = arith.constant 0 : index
      %get3A_139 = arith.constant 0 : index
      %get3A_140 = vector.load %arg1[%get3A_137, %get3A_138, %get3A_139] : memref<13x1024x128xf32, #tpu.memory_space<vmem>>, vector<1x1024x128xf32>
      %get3A_141 = vector.shape_cast %get3A_140 : vector<1x1024x128xf32> to vector<1024x128xf32>
      %get3A_142 = arith.constant 9 : index
      %get3A_143 = arith.constant 0 : index
      %get3A_144 = arith.constant 0 : index
      %get3A_145 = vector.load %arg2[%get3A_142, %get3A_143, %get3A_144] : memref<13x128x128xf32, #tpu.memory_space<vmem>>, vector<1x128x128xf32>
      %get3A_146 = vector.shape_cast %get3A_145 : vector<1x128x128xf32> to vector<128x128xf32>
      %dot_general3A_147 = arith.constant dense<0.000000e+00> : vector<1024x128xf32>
      %dot_general3A_148 = tpu.matmul %get3A_141, %get3A_146, %dot_general3A_147 {dimension_numbers = #tpu.dot_dimension_numbers<[1], [0], [0], [1], [0, 0, 1, 1], [], []>, transpose_lhs_hint = false} : vector<1024x128xf32>, vector<128x128xf32>, vector<1024x128xf32> -> vector<1024x128xf32>
      %add3A_149 = arith.addf %add3A_136, %dot_general3A_148 : vector<1024x128xf32>
      %get3A_150 = arith.constant 10 : index
      %get3A_151 = arith.constant 0 : index
      %get3A_152 = arith.constant 0 : index
      %get3A_153 = vector.load %arg1[%get3A_150, %get3A_151, %get3A_152] : memref<13x1024x128xf32, #tpu.memory_space<vmem>>, vector<1x1024x128xf32>
      %get3A_154 = vector.shape_cast %get3A_153 : vector<1x1024x128xf32> to vector<1024x128xf32>
      %get3A_155 = arith.constant 10 : index
      %get3A_156 = arith.constant 0 : index
      %get3A_157 = arith.constant 0 : index
      %get3A_158 = vector.load %arg2[%get3A_155, %get3A_156, %get3A_157] : memref<13x128x128xf32, #tpu.memory_space<vmem>>, vector<1x128x128xf32>
      %get3A_159 = vector.shape_cast %get3A_158 : vector<1x128x128xf32> to vector<128x128xf32>
      %dot_general3A_160 = arith.constant dense<0.000000e+00> : vector<1024x128xf32>
      %dot_general3A_161 = tpu.matmul %get3A_154, %get3A_159, %dot_general3A_160 {dimension_numbers = #tpu.dot_dimension_numbers<[1], [0], [0], [1], [0, 0, 1, 1], [], []>, transpose_lhs_hint = false} : vector<1024x128xf32>, vector<128x128xf32>, vector<1024x128xf32> -> vector<1024x128xf32>
      %add3A_162 = arith.addf %add3A_149, %dot_general3A_161 : vector<1024x128xf32>
      %get3A_163 = arith.constant 11 : index
      %get3A_164 = arith.constant 0 : index
      %get3A_165 = arith.constant 0 : index
      %get3A_166 = vector.load %arg1[%get3A_163, %get3A_164, %get3A_165] : memref<13x1024x128xf32, #tpu.memory_space<vmem>>, vector<1x1024x128xf32>
      %get3A_167 = vector.shape_cast %get3A_166 : vector<1x1024x128xf32> to vector<1024x128xf32>
      %get3A_168 = arith.constant 11 : index
      %get3A_169 = arith.constant 0 : index
      %get3A_170 = arith.constant 0 : index
      %get3A_171 = vector.load %arg2[%get3A_168, %get3A_169, %get3A_170] : memref<13x128x128xf32, #tpu.memory_space<vmem>>, vector<1x128x128xf32>
      %get3A_172 = vector.shape_cast %get3A_171 : vector<1x128x128xf32> to vector<128x128xf32>
      %dot_general3A_173 = arith.constant dense<0.000000e+00> : vector<1024x128xf32>
      %dot_general3A_174 = tpu.matmul %get3A_167, %get3A_172, %dot_general3A_173 {dimension_numbers = #tpu.dot_dimension_numbers<[1], [0], [0], [1], [0, 0, 1, 1], [], []>, transpose_lhs_hint = false} : vector<1024x128xf32>, vector<128x128xf32>, vector<1024x128xf32> -> vector<1024x128xf32>
      %add3A_175 = arith.addf %add3A_162, %dot_general3A_174 : vector<1024x128xf32>
      %get3A_176 = arith.constant 12 : index
      %get3A_177 = arith.constant 0 : index
      %get3A_178 = arith.constant 0 : index
      %get3A_179 = vector.load %arg1[%get3A_176, %get3A_177, %get3A_178] : memref<13x1024x128xf32, #tpu.memory_space<vmem>>, vector<1x1024x128xf32>
      %get3A_180 = vector.shape_cast %get3A_179 : vector<1x1024x128xf32> to vector<1024x128xf32>
      %get3A_181 = arith.constant 12 : index
      %get3A_182 = arith.constant 0 : index
      %get3A_183 = arith.constant 0 : index
      %get3A_184 = vector.load %arg2[%get3A_181, %get3A_182, %get3A_183] : memref<13x128x128xf32, #tpu.memory_space<vmem>>, vector<1x128x128xf32>
      %get3A_185 = vector.shape_cast %get3A_184 : vector<1x128x128xf32> to vector<128x128xf32>
      %dot_general3A_186 = arith.constant dense<0.000000e+00> : vector<1024x128xf32>
      %dot_general3A_187 = tpu.matmul %get3A_180, %get3A_185, %dot_general3A_186 {dimension_numbers = #tpu.dot_dimension_numbers<[1], [0], [0], [1], [0, 0, 1, 1], [], []>, transpose_lhs_hint = false} : vector<1024x128xf32>, vector<128x128xf32>, vector<1024x128xf32> -> vector<1024x128xf32>
      %add3A_188 = arith.addf %add3A_175, %dot_general3A_187 : vector<1024x128xf32>
      %get3A_189 = arith.constant 0 : index
      %get3A_190 = arith.constant 0 : index
      %get3A_191 = vector.load %arg3[%get3A_189, %get3A_190] : memref<1x128xf32, #tpu.memory_space<vmem>>, vector<1x128xf32>
      %add3A_192 = vector.broadcast %get3A_191 : vector<1x128xf32> to vector<1024x128xf32>
      %add3A_193 = arith.addf %add3A_188, %add3A_192 : vector<1024x128xf32>
      %max3A = arith.constant 0.000000e+00 : f32
      %max3A_194 = vector.broadcast %max3A : f32 to vector<1024x128xf32>
      %max3A_195 = arith.maximumf %add3A_193, %max3A_194 : vector<1024x128xf32>
      %get3A_196 = arith.constant 0 : index
      %get3A_197 = arith.constant 0 : index
      %get3A_198 = vector.load %arg4[%get3A_196, %get3A_197] : memref<128x64xf32, #tpu.memory_space<vmem>>, vector<128x64xf32>
      %dot_general3A_199 = arith.constant dense<0.000000e+00> : vector<1024x64xf32>
      %dot_general3A_200 = tpu.matmul %max3A_195, %get3A_198, %dot_general3A_199 {dimension_numbers = #tpu.dot_dimension_numbers<[1], [0], [0], [1], [0, 0, 1, 1], [], []>, transpose_lhs_hint = false} : vector<1024x128xf32>, vector<128x64xf32>, vector<1024x64xf32> -> vector<1024x64xf32>
      %get3A_201 = arith.constant 0 : index
      %get3A_202 = arith.constant 0 : index
      %get3A_203 = vector.load %arg5[%get3A_201, %get3A_202] : memref<1x64xf32, #tpu.memory_space<vmem>>, vector<1x64xf32>
      %add3A_204 = vector.broadcast %get3A_203 : vector<1x64xf32> to vector<1024x64xf32>
      %add3A_205 = arith.addf %dot_general3A_200, %add3A_204 : vector<1024x64xf32>
      %iota3A = tpu.iota {dimensions = array<i32: 0>} : vector<64x64xi32>
      %iota3A_206 = tpu.iota {dimensions = array<i32: 1>} : vector<64x64xi32>
      %eq3A_207 = arith.cmpi eq, %iota3A, %iota3A_206 : vector<64x64xi32>
      %convert_element_type3A_208 = arith.extui %eq3A_207 : vector<64x64xi1> to vector<64x64xi32>
      %convert_element_type3A_209 = arith.sitofp %convert_element_type3A_208 : vector<64x64xi32> to vector<64x64xf32>
      %dot_general3A_210 = arith.constant dense<0.000000e+00> : vector<64x1024xf32>
      %dot_general3A_211 = tpu.matmul %convert_element_type3A_209, %add3A_205, %dot_general3A_210 {dimension_numbers = #tpu.dot_dimension_numbers<[1], [1], [0], [0], [0, 0, 1, 0], [], []>, transpose_lhs_hint = false} : vector<64x64xf32>, vector<1024x64xf32>, vector<64x1024xf32> -> vector<64x1024xf32>
      %swap3A_212 = arith.constant 0 : index
      %swap3A_213 = arith.constant 0 : index
      %swap3A_214 = vector.load %arg8[%swap3A_212, %swap3A_213] : memref<65x1024xf32, #tpu.memory_space<vmem>>, vector<64x1024xf32>
      tpu.vector_store %arg8[%swap3A_212, %swap3A_213], %dot_general3A_211 {strides = array<i32>} : memref<65x1024xf32, #tpu.memory_space<vmem>>, vector<64x1024xf32>,
      %broadcast_in_dim3A_215 = arith.constant 1.000000e+00 : f32
      %broadcast_in_dim3A_216 = vector.broadcast %broadcast_in_dim3A_215 : f32 to vector<1x1024xf32>
      %swap3A_217 = arith.constant 64 : index
      %swap3A_218 = arith.constant 0 : index
      %swap3A_219 = vector.load %arg8[%swap3A_217, %swap3A_218] : memref<65x1024xf32, #tpu.memory_space<vmem>>, vector<1x1024xf32>
      tpu.vector_store %arg8[%swap3A_217, %swap3A_218], %broadcast_in_dim3A_216 {strides = array<i32>} : memref<65x1024xf32, #tpu.memory_space<vmem>>, vector<1x1024xf32>,
    } else {
    }
    %get3A = arith.constant 0 : index
    %get3A_2 = arith.constant 0 : index
    %get3A_3 = vector.load %arg8[%get3A, %get3A_2] : memref<65x1024xf32, #tpu.memory_space<vmem>>, vector<65x1024xf32>
    %get3A_4 = arith.constant 0 : index
    %get3A_5 = arith.constant 0 : index
    %get3A_6 = arith.constant 0 : index
    %get3A_7 = vector.load %arg6[%get3A_4, %get3A_5, %get3A_6] : memref<1x64x1000xf32, #tpu.memory_space<vmem>>, vector<1x64x1000xf32>
    %get3A_8 = vector.shape_cast %get3A_7 : vector<1x64x1000xf32> to vector<64x1000xf32>
    %get3A_9 = arith.constant 0 : index
    %get3A_10 = arith.constant 0 : index
    %get3A_11 = arith.constant 0 : index
    %get3A_12 = vector.load %arg7[%get3A_9, %get3A_10, %get3A_11] : memref<1x1x1000xf32, #tpu.memory_space<vmem>>, vector<1x1x1000xf32>
    %get3A_13 = vector.shape_cast %get3A_12 : vector<1x1x1000xf32> to vector<1x1000xf32>
    %concatenate3A = tpu.concatenate %get3A_8, %get3A_13 in 0 : vector<64x1000xf32>, vector<1x1000xf32> -> vector<65x1000xf32>
    %dot_general3A = arith.constant dense<0.000000e+00> : vector<1000x1024xf32>
    %dot_general3A_14 = tpu.matmul %concatenate3A, %get3A_3, %dot_general3A {dimension_numbers = #tpu.dot_dimension_numbers<[0], [0], [1], [1], [0, 1, 1, 1], [], []>, transpose_lhs_hint = false} : vector<65x1000xf32>, vector<65x1024xf32>, vector<1000x1024xf32> -> vector<1000x1024xf32>
    %swap3A = arith.constant 0 : index
    %swap3A_15 = arith.constant 0 : index
    %swap3A_16 = arith.constant 0 : index
    %swap3A_17 = vector.load %arg9[%swap3A, %swap3A_15, %swap3A_16] : memref<1x1000x1024xf32, #tpu.memory_space<vmem>>, vector<1x1000x1024xf32>
    %swap3A_18 = vector.shape_cast %swap3A_17 : vector<1x1000x1024xf32> to vector<1000x1024xf32>
    %swap3A_19 = vector.shape_cast %dot_general3A_14 : vector<1000x1024xf32> to vector<1x1000x1024xf32>
    tpu.vector_store %arg9[%swap3A, %swap3A_15, %swap3A_16], %swap3A_19 {strides = array<i32>} : memref<1x1000x1024xf32, #tpu.memory_space<vmem>>, vector<1x1000x1024xf32>,
    return
  }
  func.func @transform_0(%arg0: i32) -> (i32, i32, i32) {
    %c0_i32 = arith.constant 0 : i32
    %c0_i32_0 = arith.constant 0 : i32
    %c0_i32_1 = arith.constant 0 : i32
    %c0_i32_2 = arith.constant 0 : i32
    return %c0_i32, %c0_i32_0, %c0_i32_1 : i32, i32, i32
  }
  func.func @transform_1(%arg0: i32) -> (i32, i32, i32) {
    %c0_i32 = arith.constant 0 : i32
    %c0_i32_0 = arith.constant 0 : i32
    %c0_i32_1 = arith.constant 0 : i32
    %c0_i32_2 = arith.constant 0 : i32
    return %c0_i32, %c0_i32_0, %c0_i32_1 : i32, i32, i32
  }
  func.func @transform_2(%arg0: i32) -> (i32, i32) {
    %c0_i32 = arith.constant 0 : i32
    %c0_i32_0 = arith.constant 0 : i32
    %c0_i32_1 = arith.constant 0 : i32
    return %c0_i32, %c0_i32_0 : i32, i32
  }
  func.func @transform_3(%arg0: i32) -> (i32, i32) {
    %c0_i32 = arith.constant 0 : i32
    %c0_i32_0 = arith.constant 0 : i32
    %c0_i32_1 = arith.constant 0 : i32
    return %c0_i32, %c0_i32_0 : i32, i32
  }
  func.func @transform_4(%arg0: i32) -> (i32, i32) {
    %c0_i32 = arith.constant 0 : i32
    %c0_i32_0 = arith.constant 0 : i32
    %c0_i32_1 = arith.constant 0 : i32
    return %c0_i32, %c0_i32_0 : i32, i32
  }
  func.func @transform_5(%arg0: i32) -> (i32, i32, i32) {
    %c0_i32 = arith.constant 0 : i32
    %c0_i32_0 = arith.constant 0 : i32
    %c0_i32_1 = arith.constant 0 : i32
    return %arg0, %c0_i32, %c0_i32_0 : i32, i32, i32
  }
  func.func @transform_6(%arg0: i32) -> (i32, i32, i32) {
    %c0_i32 = arith.constant 0 : i32
    %c0_i32_0 = arith.constant 0 : i32
    %c0_i32_1 = arith.constant 0 : i32
    return %arg0, %c0_i32, %c0_i32_0 : i32, i32, i32
  }
  func.func @transform_7(%arg0: i32) -> (i32, i32) {
    %c0_i32 = arith.constant 0 : i32
    %c0_i32_0 = arith.constant 0 : i32
    %c0_i32_1 = arith.constant 0 : i32
    return %c0_i32, %c0_i32_0 : i32, i32
  }
  func.func @transform_8(%arg0: i32) -> (i32, i32, i32) {
    %c0_i32 = arith.constant 0 : i32
    %c0_i32_0 = arith.constant 0 : i32
    %c0_i32_1 = arith.constant 0 : i32
    return %arg0, %c0_i32, %c0_i32_0 : i32, i32, i32
  }
}

</mosaic_0001>

<sc_bundles>
// kernel: kernel.4.cloned.1.call-start
scs
__scs_entry_jumppad:
0x0: {  	(pc) =	sbr.rel $0x88, $3  }
0x1: {  	(tag) =	ssettag $0x0;
	lr =	simm.s32 $0x1  }
0x2: {  	[smem:$0x3F99] =	sst lr;
	_ =	strace $0xD0000000  }
0x3: {  	_ = 	snop  }
0x4: {  	_ = 	snop  }
0x5: {  	_ = 	snop  }
0x6: {  	_ = 	snop  }
0x7: {  	_ = 	snop  }
__scs_overlays_trampoline_lowered:
0x8: {  	[smem:$0x3FA8] =	sst s0  }
0x9: {  	[smem:$0x3FA9] =	sst s1  }
0xa: {  	[smem:$0x3FAA] =	sst s2  }
0xb: {  	[smem:$0x3FAB] =	sst s3  }
0xc: {  	[smem:$0x3FAC] =	sst s4  }
0xd: {  	[smem:$0x3FAD] =	sst s5  }
0xe: {  	[smem:$0x3FAE] =	sst s6  }
0xf: {  	[smem:$0x3FAF] =	sst s7  }
0x10: {  	[smem:$0x3FB0] =	sst s8  }
0x11: {  	[smem:$0x3FB1] =	sst s9;
	s0 =	simm.s32 @!p0 $0x0  }
0x12: {  	s1 =	sld [smem:$0x3F97];
	s0 =	simm.s32 @p0 $0x1  }
0x13: {  	[smem:$0x3FB2] =	sst s0;
	s0 =	simm.s32 @!p1 $0x0  }
0x14: {  	s2 =	sld [smem:$0x3F96];
	s0 =	simm.s32 @p1 $0x1  }
0x15: {  	[smem:$0x3FB3] =	sst s0;
	s0 =	simm.s32 @!p2 $0x0  }
0x16: {  	s3 =	sld [smem:$0x3FDB];
	s0 =	simm.s32 @p2 $0x1  }
0x17: {  	s4 =	simm.s32 $0x1BF5;
	[smem:$0x3FB5] =	sst s0  }
0x18: {  	s0 =	sld [smem:$0x3F98];
	_ =	swait.ge [sflag:s4], $0x0  }
0x19: {  	s7 =	sld [smem:$0x3F99]  }
0x1a: {  	s8 =	sadd.s32 $0xFFFFE003, lr  }
0x1b: {  	s9 =	sadd.s32 $0xFFFFFEF7, lr;
	s5 =	simm.s32 $0xFFFFFFFF;
	p2 =	slt.u32 s8, $0xFFFFF086  }
0x1c: {  	p1 =	slt.u32 s9, $0xF7A;
	s5 =	simm.s32 @!p2 $0x0  }
0x1d: {  	s5 =	simm.s32 @p1 $0x1;
	p0 =	seq.s32 s7, s2  }
0x1e: {  	s7 =	smul.u32 @!p0 $0xF7A, s2;
	p2 =	seq.s32 @!p0 s5, $0x0  }
0x1f: {  	s9 =	smul.u32 $0xF7A, s1;
	s8 =	simm.s32 @!p0 $0x1BF5;
	p2 =	por !p2, p0  }
0x20: {  	[sflag:s8] =	ssyncset.s32 @!p0 $0xFFFFF086;
	s6 =	sadd.s32 @!p0 s3, s7;
	s7 =	simm.s32 @!p0 $0x108  }
0x21: {  	s3 =	sadd.s32 s3, s9;
	s6 =	sadd.s32 @!p0 $0x88, s6;
	s7 =	simm.s32 @p2 $0x1082  }
0x22: {  	[simem:s7], [sflag:s8] =	dma.local @!p0 [hbm:s6], $0xF7A  }
0x23: {  	s9 =	sor.u32 $0xD0000000, s2;
	s6 =	simm.s32 $0x108;
	_ =	swait.ge @!p0 [sflag:s8], $0x0  }
0x24: {  	s3 =	sadd.s32 $0x88, s3;
	s6 =	simm.s32 @!p1 $0x1082;
	[sflag:s4] =	ssyncset.s32 $0xFFFFF086  }
0x25: {  	[simem:s6], [sflag:s4] =	dma.local [hbm:s3], $0xF7A  }
0x26: {  	[smem:$0x3F99] =	sst s1;
	(tag) =	ssettag s2;
	_ =	strace s9  }
0x27: {  	s1 =	sld [smem:$0x3FA9]  }
0x28: {  	s2 =	sld [smem:$0x3FAA]  }
0x29: {  	s4 =	sld [smem:$0x3FAC]  }
0x2a: {  	p0 =	seq.s32 s5, $0x0;
	s5 =	sld [smem:$0x3FAD]  }
0x2b: {  	s6 =	sld [smem:$0x3FAE]  }
0x2c: {  	s7 =	sld [smem:$0x3FAF]  }
0x2d: {  	s3 =	simm.s32 $0x108;
	s8 =	sld [smem:$0x3FB0]  }
0x2e: {  	s3 =	simm.s32 @!p0 $0x1082;
	s9 =	sld [smem:$0x3FB1]  }
0x2f: {  	lr =	sadd.s32 s0, s3;
	s0 =	sld [smem:$0x3FA8]  }
0x30: {  	s3 =	sld [smem:$0x3FAB]  }
0x31: {  	[smem:$0x3FB4] =	sst s10  }
0x32: {  	s10 =	sld [smem:$0x3FB2];
	_ =	sdelay $0x3  }
0x33: {  	p0 =	seq.s32 s10, $0x1;
	s10 =	sld [smem:$0x3FB4];
	_ =	sdelay $0x3  }
0x34: {  	[smem:$0x3FB4] =	sst s10  }
0x35: {  	s10 =	sld [smem:$0x3FB3];
	_ =	sdelay $0x3  }
0x36: {  	p1 =	seq.s32 s10, $0x1;
	s10 =	sld [smem:$0x3FB4];
	_ =	sdelay $0x3  }
0x37: {  	[smem:$0x3FB4] =	sst s10  }
0x38: {  	s10 =	sld [smem:$0x3FB5]  }
0x39: {  	_ = 	snop;
	(pc) =	sbr.ind lr, $3  }
0x3a: {  	_ = 	snop  }
0x3b: {  	_ = 	snop  }
0x3c: {  	p2 =	seq.s32 s10, $0x1;
	s10 =	sld [smem:$0x3FB4]  }
0x3d: {  	_ =	shalt  }
0x3e: {  	_ =	shalt  }
0x3f: {  	_ =	shalt  }
0x40: {  	_ =	shalt  }
0x41: {  	_ =	shalt  }
0x42: {  	_ =	shalt  }
0x43: {  	_ =	shalt  }
0x44: {  	_ =	shalt  }
0x45: {  	_ =	shalt  }
0x46: {  	_ =	shalt  }
0x47: {  	_ =	shalt  }
0x48: {  	_ =	shalt  }
0x49: {  	_ =	shalt  }
0x4a: {  	_ =	shalt  }
0x4b: {  	_ =	shalt  }
0x4c: {  	_ =	shalt  }
0x4d: {  	_ =	shalt  }
0x4e: {  	_ =	shalt  }
0x4f: {  	_ =	shalt  }
0x50: {  	_ =	shalt  }
0x51: {  	_ =	shalt  }
0x52: {  	_ =	shalt  }
0x53: {  	_ =	shalt  }
0x54: {  	_ =	shalt  }
0x55: {  	_ =	shalt  }
0x56: {  	_ =	shalt  }
0x57: {  	_ =	shalt  }
0x58: {  	_ =	shalt  }
0x59: {  	_ =	shalt  }
0x5a: {  	_ =	shalt  }
0x5b: {  	_ =	shalt  }
0x5c: {  	_ =	shalt  }
0x5d: {  	_ =	shalt  }
0x5e: {  	_ =	shalt  }
0x5f: {  	_ =	shalt  }
0x60: {  	_ =	shalt  }
0x61: {  	_ =	shalt  }
0x62: {  	_ =	shalt  }
0x63: {  	_ =	shalt  }
0x64: {  	_ =	shalt  }
0x65: {  	_ =	shalt  }
0x66: {  	_ =	shalt  }
0x67: {  	_ =	shalt  }
0x68: {  	_ =	shalt  }
0x69: {  	_ =	shalt  }
0x6a: {  	_ =	shalt  }
0x6b: {  	_ =	shalt  }
0x6c: {  	_ =	shalt  }
0x6d: {  	_ =	shalt  }
0x6e: {  	_ =	shalt  }
0x6f: {  	_ =	shalt  }
0x70: {  	_ =	shalt  }
0x71: {  	_ =	shalt  }
0x72: {  	_ =	shalt  }
0x73: {  	_ =	shalt  }
0x74: {  	_ =	shalt  }
0x75: {  	_ =	shalt  }
0x76: {  	_ =	shalt  }
0x77: {  	_ =	shalt  }
0x78: {  	_ =	shalt  }
0x79: {  	_ =	shalt  }
0x7a: {  	_ =	shalt  }
0x7b: {  	_ =	shalt  }
0x7c: {  	_ =	shalt  }
0x7d: {  	_ =	shalt  }
0x7e: {  	_ =	shalt  }
0x7f: {  	_ =	shalt  }
0x80: {  	_ =	shalt  }
0x81: {  	_ =	shalt  }
0x82: {  	_ =	shalt  }
0x83: {  	_ =	shalt  }
0x84: {  	_ =	shalt  }
0x85: {  	_ =	shalt  }
0x86: {  	_ =	shalt  }
0x87: {  	_ =	shalt  }
.Lfunc_end0:
.L_simem_size_0:
called_computation_lowered:
.L_overlay_start_0:
0x88: {  	s2 =	sld [smem:$0x3FD9]  }
0x89: {  	s3 =	sld [smem:$0x3FFE];
	_ =	sdelay $0x1  }
0x8a: {  	s1 =	srdreg.scid  }
0x8b: {  	s0 =	sand.u32 $0x1, s1  }
0x8c: {  	s14 =	sshll.u32 s0, $0xA;
	s2 =	sadd.s32 s3, s2  }
0x8d: {  	s2 =	sadd.s32 s2, s14  }
0x8e: {  	[smem:$0x3FC0] =	sst s2  }
0x8f: {  	_ = 	snop  }
0x90: {  	s2 =	sld [smem:$0x3FD0];
	_ =	sdelay $0x2  }
0x91: {  	s15 =	simm.s32 $0xA;
	s4 =	simm.s32 $0x10  }
0x92: {  	[smem:s4], [sflag:s15] =	dma.local [hbm:s2], $0x1  }
0x93: {  	_ =	swait.eq [sflag:s15], $0x1  }
0x94: {  	[sflag:s15] =	ssyncset.done $0x0  }
0x95: {  	s16 =	sld [smem:$0x10];
	[sflag:s15] =	ssyncadd.s32 $0xFFFFFFFF  }
0x96: {  	s17 =	sld [smem:$0x11];
	(tm) =	ssettm $0x1  }
0x97: {  	s18 =	sld [smem:$0x3FFB];
	_ =	sdelay $0x3  }
0x98: {  	_ =	strace s18  }
0x99: {  	s4 =	sld [smem:$0x3FFC];
	_ =	sdelay $0x3  }
0x9a: {  	_ =	strace s4  }
0x9b: {  	s4 =	sld [smem:$0x3FFD];
	_ =	sdelay $0x3  }
0x9c: {  	_ =	strace s4  }
0x9d: {  	_ =	strace $0x8FFFFFFF  }
0x9e: {  	s19 =	sld [smem:$0x3FDB];
	_ =	sdelay $0x1  }
0x9f: {  	s5 =	simm.s32 $_scs_section_size  }
0xa0: {  	s6 =	simm.s32 $_size__tile_overlayer_lowered;
	s7 =	simm.s32 $_tile_overlayer_lowered  }
0xa1: {  	s22 =	simm.s32 $0x1BFF;
	s21 =	sshll.u32 s7, $0x1;
	s4 =	sadd.s32 s5, s19  }
0xa2: {  	s8 =	simm.s32 $0x0;
	s20 =	sshll.u32 s6, $0x1;
	s6 =	sadd.s32 s21, s4  }
0xa3: {  	[timem:s8], [sflag:s22] =	dma.local [hbm:s6], s20  }
0xa4: {  	_ =	swait.ge [sflag:s22], s20  }
0xa5: {  	s5 =	ssub.s32 $0x0, s20;
	[sflag:s22] =	ssyncset.done $0x0  }
0xa6: {  	[sflag:s22] =	ssyncadd.s32 s5;
	_ =	sdelay $0x1  }
0xa7: {  	s23 =	simm.s32 $0x1B8B  }
0xa8: {  	_ =	swait.ge [sflag:s23], $0x1  }
0xa9: {  	[sflag:s23] =	ssyncset.done $0x0  }
0xaa: {  	s25 =	simm.s32 $0x1B8E;
	s24 =	sld [smem:$0x3FFE];
	[sflag:s23] =	ssyncadd.s32 $0xFFFFFFFF  }
0xab: {  	s26 =	simm.s32 $execute0_lowered;
	[smem:$0x3FD2] =	sst s25  }
0xac: {  	s6 =	sshll.u32 s26, $0x1;
	_ =	strace $0x80000046;
	[dreg:$0x1] =	wrdreg $0xFFFFFFFF  }
0xad: {  	s28 =	simm.s32 $_size_execute0_lowered;
	s4 =	sadd.s32 s4, s6;
	[dreg:$0x0] =	wrdreg $0x0  }
0xae: {  	s6 =	sshll.u32 s28, $0x1;
	[dreg:$0x2] =	wrdreg s4  }
0xaf: {  	[dreg:$0x3] =	wrdreg s6  }
0xb0: {  	[dreg:$0x4] =	wrdreg $0xC0  }
0xb1: {  	_ =	task [dreg:s8], $0x5FFFF  }
0xb2: {  	[dreg:$0x1] =	wrdreg $0xFFFFFFFF  }
0xb3: {  	[dreg:$0x0] =	wrdreg $0x60  }
0xb4: {  	[dreg:$0x2] =	wrdreg s24  }
0xb5: {  	[dreg:$0x3] =	wrdreg s16  }
0xb6: {  	[dreg:$0x4] =	wrdreg s17  }
0xb7: {  	[dreg:$0x5] =	wrdreg $0x104000  }
0xb8: {  	[dreg:$0x6] =	wrdreg $0x9  }
0xb9: {  	_ =	task.clear_ibuf [dreg:s8], $0x7FFFF;
	_ =	strace $0x90000046  }
0xba: {  	s29 =	simm.s32 $0x9;
	_ =	strace $0x80000048  }
0xbb: {  	_ =	swait.ge [sflag:s29], $0x1  }
0xbc: {  	[sflag:s29] =	ssyncadd.s32 $0xFFFFFFFF  }
0xbd: {  	_ =	strace $0x90000048  }
0xbe: {  	_ =	sfence  }
0xbf: {  	s30 =	sld [smem:$0x0];
	_ =	sdelay $0x2  }
0xc0: {  	s31 =	sshll.u32 s1, $0xD;
	s1 =	sshrl.u32 s1, $0x2  }
0xc1: {  	s3 =	sand.u32 $0x4000, s31;
	s1 =	sadd.s32 s1, s30  }
0xc2: {  	s0 =	sor.u32 s3, s0;
	s1 =	sshll.u32 s1, $0x11  }
0xc3: {  	s0 =	sor.u32 s1, s0  }
0xc4: {  	s0 =	sadd.s32 $0x8F2B, s0  }
0xc5: {  	[sflag:s0] =	ssyncadd.remote.s32 $0x1  }
0xc6: {  	_ =	sfence.sel $0xFFFF  }
0xc7: {  	[dreg:$0x0] =	wrdreg $0xFFFFFFFF;
	(pc) =	sbr.abs _section_cstart, $3  }
0xc8: {  	[dreg:$0x1] =	wrdreg $0xFFFFFFFF  }
0xc9: {  	_ =	task.clear_ibuf [dreg:s8], $0x2FFFF;
	_ =	strace $0x9FFFFFFF  }
0xca: {  	(tm) =	ssettm $0x7FFFFFFF  }
0xcb: {  	_ =	shalt  }
tec
execute0_lowered:
.L_overlay_start_1:
0x0: {  	(tag) =	ssettag $0x1  }
0x1: {  	s1 =	stileid.u32  }
0x2: {  	s4 =	rddreg [dreg:$0x0];
	p0 =	sgt.u32 s1, $0xC  }
.Ltmp0:
0x3: {  	s8 =	rddreg [dreg:$0x1];
	(pc) =	sbr.rel @p0 .LBB2_4-.Ltmp0, $4  }
0x4: {  	s9 =	rddreg [dreg:$0x2]  }
0x5: {  	s2 =	rddreg [dreg:$0x3];
	s3 =	simm.s32 $0x0  }
0x6: {  	[smem:$0x7FF] =	sst s3  }
0x7: {  	s0 =	rddreg [dreg:$0x4];
	_ =	strace $0x80000047  }
0x8: {  	s5 =	srdreg.scid  }
0x9: {  	s10 =	sand.u32 $0x1, s5  }
0xa: {  	s5 =	smul.u32 $0xD, s10  }
0xb: {  	s29 =	smul.u32 $0x3E800, s1  }
0xc: {  	s11 =	sadd.s32 s1, s5  }
0xd: {  	s30 =	sshll.u32 s1, $0x6;
	s5 =	sshrl.u32 s29, $0x2;
	s6 =	smul.u32 $0x1F40, s11  }
0xe: {  	s4 =	sadd.s32 $0x1A00, s4;
	s7 =	sadd.s32 s5, s2;
	s5 =	sor.u32 $0x1C02, s30  }
0xf: {  	s7 =	sshrl.u32 s7, $0x3;
	s4 =	sadd.s32 s4, s6;
	s6 =	simm.s32 $0x2  }
0x10: {  	[spmem:s7], [sflag:s5] =	dma.local [hbm:s4], $0x1F40  }
0x11: {  	s13 =	ssub.s32 $0x2, s10;
	s10 =	simm.s32 $0x1;
	_ =	swait.ge [sflag:s6], $0x1F40  }
0x12: {  	s14 =	sshrl.u32 s13, $0x1;
	s12 =	sshll.u32 s11, $0x7;
	[sflag:s6] =	ssyncset.done $0x0  }
0x13: {  	s13 =	ssub.s32 s13, s14;
	s8 =	sadd.s32 s8, s12;
	[sflag:s6] =	ssyncadd.s32 $0xFFFFE0C0  }
0x14: {  	[tilespmem:s3], [sflag:$0x2] =	stream.linear.gather [hbm4b:s8+s3], $0x400, $0x38;
	[tilespmem:$0x1CF20] =	vst v63  }
0x15: {  	s31 =	sshll.u32 s11, $0xD;
	s11 =	sshll.u32 s11, $0x3;
	_ =	swait.ge [sflag:s6], $0x400  }
0x16: {  	s14 =	smax.u32 s13, $0x1;
	s11 =	sand.u32 $0x8, s11;
	[sflag:s6] =	ssyncset.done $0x0  }
0x17: {  	s11 =	sadd.s32 s9, s11;
	s9 =	simm.s32 $0x400;
	[sflag:s6] =	ssyncadd.s32 $0xFFFFFC00  }
0x18: {  	[tilespmem:s9], [sflag:$0x1] =	stream.indirect.gather [spmem:s2], $0x40, s3, s9, $0xb8;
	[tilespmem:$0x1CF20] =	vst v63  }
0x19: {  	s13 =	simm.s32 $0x80;
	p0 =	sne.s32 s14, $0x1;
	_ =	swait.ge [sflag:s10], $0x10000  }
.Ltmp1:
0x1a: {  	s12 =	sand.u32 $0x3C000, s31;
	[sflag:s10] =	ssyncset.done $0x0;
	(pc) =	sbr.rel @!p0 .LBB2_3-.Ltmp1, $4  }
0x1b: {  	s11 =	sadd.s32 s12, s11;
	s12 =	simm.s32 $0x40;
	[sflag:s10] =	ssyncadd.s32 $0xFFFF0000  }
0x1c: {  	[hbm4b:s11+s12] =	stream.strided.scatter [tilespmem:s9], [sflag:$0x2], $0x10000, s13, s12, $0x38;
	[tilespmem:$0x1CF20] =	vst v63  }
0x1d: {  	_ =	swait.ge [sflag:s6], $0x10000  }
0x1e: {  	s14 =	sadd.s32 $0xFFFFFFFF, s14;
	[sflag:s6] =	ssyncset.done $0x0  }
.LBB2_2:
0x1f: {  	p0 =	sne.s32 s14, $0x1;
	s14 =	sadd.s32 $0xFFFFFFFF, s14;
	[sflag:s6] =	ssyncadd.s32 $0xFFFF0000  }
0x20: {  	[spmem:s7], [sflag:s5] =	dma.local [hbm:s4], $0x1F40  }
0x21: {  	_ =	swait.ge [sflag:s6], $0x1F40  }
0x22: {  	[sflag:s6] =	ssyncset.done $0x0  }
0x23: {  	[sflag:s6] =	ssyncadd.s32 $0xFFFFE0C0  }
0x24: {  	[tilespmem:s3], [sflag:$0x2] =	stream.linear.gather [hbm4b:s8+s3], $0x400, $0x38;
	[tilespmem:$0x1CF20] =	vst v63  }
0x25: {  	_ =	swait.ge [sflag:s6], $0x400  }
0x26: {  	[sflag:s6] =	ssyncset.done $0x0  }
0x27: {  	[sflag:s6] =	ssyncadd.s32 $0xFFFFFC00  }
0x28: {  	[tilespmem:s9], [sflag:$0x1] =	stream.indirect.gather [spmem:s2], $0x40, s3, s9, $0xb8;
	[tilespmem:$0x1CF20] =	vst v63  }
0x29: {  	_ =	swait.ge [sflag:s10], $0x10000  }
.Ltmp2:
0x2a: {  	[sflag:s10] =	ssyncset.done $0x0;
	(pc) =	sbr.rel @p0 .LBB2_2-.Ltmp2, $4  }
0x2b: {  	[sflag:s10] =	ssyncadd.s32 $0xFFFF0000  }
0x2c: {  	[hbm4b:s11+s12] =	stream.strided.scatter [tilespmem:s9], [sflag:$0x2], $0x10000, s13, s12, $0x38;
	[tilespmem:$0x1CF20] =	vst v63  }
0x2d: {  	_ =	swait.ge [sflag:s6], $0x10000  }
0x2e: {  	[sflag:s6] =	ssyncset.done $0x0  }
.LBB2_3:
0x2f: {  	[sflag:s6] =	ssyncadd.s32 $0xFFFF0000  }
.LBB2_4:
0x30: {  	_ =	sfence.sel $0x180000  }
0x31: {  	[bflag:$0x0] =	sbarrier.arrive $0xFFFF  }
0x32: {  	p0 =	sne.s32 s1, $0x0;
	_ =	strace $0x90000047  }
0x33: {  	s0 =	sadd.s32 @!p0 $0x100000, s0;
	[bflag:$0x2] =	sbarrier.arrive $0xFFFF  }
0x34: {  	[sflag:s0] =	ssyncadd.tile.s32 @!p0 $0x1;
	_ =	shalt  }
.Lfunc_end2:
_tile_overlayer_lowered:
.L_overlay_start_2:
0x35: {  	(tag) =	ssettag $0x2  }
0x36: {  	s0 =	rddreg [dreg:$0x0];
	s2 =	stileid.u32  }
0x37: {  	s1 =	rddreg [dreg:$0x1];
	p0 =	sne.s32 s2, $0x0  }
0x38: {  	s3 =	rddreg [dreg:$0x2];
	[bflag:$0x3] =	sbarrier.arrive $0xFFFF;
	s2 =	simm.s32 @!p0 $0x1C02  }
0x39: {  	[timem:s3], [sflag:s2] =	dma.local @!p0 [hbm:s0], s1  }
0x3a: {  	s0 =	simm.s32 @!p0 $0x2  }
0x3b: {  	_ =	swait.ge @!p0 [sflag:s0], s1  }
0x3c: {  	s1 =	ssub.s32 @!p0 $0x0, s1;
	[sflag:s0] =	ssyncset.done @!p0 $0x0  }
0x3d: {  	[sflag:s0] =	ssyncadd.s32 @!p0 s1  }
0x3e: {  	[bflag:$0x3] =	sbarrier.arrive $0xFFFF  }
0x3f: {  	_ =	shalt  }

</sc_bundles>
